<compile_context>
chip_gen: v7x
topology: tpu7x:2x2x1
jax: 0.10.2.dev20260603
libtpu: 0.0.44.dev20260713+nightly
codegen_flags: <defaults>
</compile_context>

<pallas_src>
import functools
import math
import numpy as np
import jax
import jax.numpy as jnp
from jax import lax
from jax.experimental import pallas as pl
from jax.experimental.pallas import tpu as pltpu
from jax.experimental.pallas import tpu_sc as plsc

KNN = 17
NW = 32


@functools.partial(jax.jit, static_argnums=(2, 3))
def _sc_gather(table, idx, CH, nch):
    E = idx.shape[0]
    D = table.shape[1]
    per_w = CH * nch
    mesh = plsc.VectorSubcoreMesh(core_axis_name="c", subcore_axis_name="s")

    @functools.partial(
        pl.kernel,
        mesh=mesh,
        compiler_params=pltpu.CompilerParams(use_tc_tiling_on_sc=False),
        out_type=jax.ShapeDtypeStruct((E, D), table.dtype),
        scratch_types=[
            pltpu.VMEM((per_w,), jnp.int32),
            pltpu.VMEM((2, CH, D), table.dtype),
            pltpu.SemaphoreType.DMA,
            pltpu.SemaphoreType.DMA,
            pltpu.SemaphoreType.DMA,
        ],
    )
    def k(table_hbm, idx_hbm, out_hbm, idx_v, rows_v, gsem, osem0, osem1):
        wid = lax.axis_index("s") * 2 + lax.axis_index("c")
        base = wid * per_w
        pltpu.sync_copy(idx_hbm.at[pl.ds(base, per_w)], idx_v)

        def chunk(i, slot, osem, first):
            @pl.when(jnp.logical_not(first))
            def _():
                pltpu.make_async_copy(
                    rows_v.at[slot],
                    out_hbm.at[pl.ds(base + (i - 2) * CH, CH)], osem).wait()
            pltpu.async_copy(
                table_hbm.at[idx_v.at[pl.ds(i * CH, CH)]],
                rows_v.at[slot], gsem).wait()
            pltpu.async_copy(rows_v.at[slot],
                             out_hbm.at[pl.ds(base + i * CH, CH)], osem)

        def body2(t, _):
            chunk(2 * t, 0, osem0, t == 0)
            @pl.when(2 * t + 1 < nch)
            def _():
                chunk(2 * t + 1, 1, osem1, t == 0)
            return ()

        lax.fori_loop(0, (nch + 1) // 2, body2, (), unroll=False)
        pltpu.make_async_copy(
            rows_v.at[(nch - 1) % 2],
            out_hbm.at[pl.ds(base + (nch - 1) * CH, CH)],
            osem1 if (nch - 1) % 2 == 1 else osem0).wait()
        if nch > 1:
            pltpu.make_async_copy(
                rows_v.at[(nch - 2) % 2],
                out_hbm.at[pl.ds(base + (nch - 2) * CH, CH)],
                osem1 if (nch - 2) % 2 == 1 else osem0).wait()

    return k(table, idx)


def _gather(table, idx):
    E = idx.shape[0]
    D = table.shape[1]
    per_w = E // NW
    cap = max(8, (200 * 1024) // (D * 4))
    CH = max(d for d in range(8, per_w + 1, 8)
             if per_w % d == 0 and d <= cap)
    nch = per_w // CH
    return _sc_gather(table, idx, CH, nch)


PPC = 8
EPP = KNN


@functools.partial(jax.jit, static_argnums=(4,))
def _sc_layer(PT, nb, AC, Wl, C):
    R = PT.shape[0]
    D = C + 16
    per_pt = R // NW
    nch = per_pt // PPC
    CH = PPC * EPP
    mesh = plsc.VectorSubcoreMesh(core_axis_name="c", subcore_axis_name="s")

    @functools.partial(
        pl.kernel,
        mesh=mesh,
        compiler_params=pltpu.CompilerParams(use_tc_tiling_on_sc=False),
        out_type=jax.ShapeDtypeStruct((R, C), jnp.float32),
        scratch_types=[
            pltpu.VMEM((per_pt * EPP,), jnp.int32),
            pltpu.VMEM((per_pt, 16), jnp.float32),
            pltpu.VMEM((3 * C,), jnp.float32),
            pltpu.VMEM((2, CH, D), jnp.float32),
            pltpu.VMEM((2, PPC, C), jnp.float32),
            pltpu.SemaphoreType.DMA,
            pltpu.SemaphoreType.DMA,
            pltpu.SemaphoreType.DMA,
            pltpu.SemaphoreType.DMA,
        ],
    )
    def k(PT_h, nb_h, AC_h, Wl_h, M_h, idx_v, ac_v, wl_v, rows_v, m_v,
          gsem0, gsem1, osem0, osem1):
        wid = lax.axis_index("s") * 2 + lax.axis_index("c")
        pbase = wid * per_pt
        ebase = pbase * EPP
        pltpu.sync_copy(nb_h.at[pl.ds(ebase, per_pt * EPP)], idx_v)
        pltpu.sync_copy(AC_h.at[pl.ds(pbase, per_pt)], ac_v)
        pltpu.sync_copy(Wl_h, wl_v)

        def issue_gather(ch, slot):
            pltpu.async_copy(
                PT_h.at[idx_v.at[pl.ds(ch * CH, CH)]],
                rows_v.at[slot], gsem0 if slot == 0 else gsem1)

        def compute(ch, slot):
            rv = rows_v.at[slot]
            mv = m_v.at[slot]
            for p in range(PPC):
                pw = ch * PPC + p
                av = ac_v[pw, pl.ds(0, 16)]
                a = [av[t] for t in range(9)]
                ctr = [av[9 + d] for d in range(3)]

                def ebody(e, acc):
                    r = p * EPP + e
                    tail = rv[r, pl.ds(C, 16)]
                    dx = [tail[d] - ctr[d] for d in range(3)]
                    lc = [dx[0] * a[cc] + dx[1] * a[3 + cc]
                          + dx[2] * a[6 + cc] for cc in range(3)]
                    out = []
                    for c2 in range(C // 16):
                        v = rv[r, pl.ds(c2 * 16, 16)]
                        v = (v + lc[0] * wl_v[pl.ds(c2 * 16, 16)]
                             + lc[1] * wl_v[pl.ds(C + c2 * 16, 16)]
                             + lc[2] * wl_v[pl.ds(2 * C + c2 * 16, 16)])
                        out.append(jnp.maximum(acc[c2], v))
                    return tuple(out)

                acc = lax.fori_loop(
                    0, EPP, ebody,
                    tuple(jnp.full((16,), -3.4e38, jnp.float32)
                          for _ in range(C // 16)))
                for c2 in range(C // 16):
                    mv[p, pl.ds(c2 * 16, 16)] = acc[c2]

        def body2(t, _):
            for sl in (0, 1):
                ch = 2 * t + sl
                gsem = gsem0 if sl == 0 else gsem1
                osem = osem0 if sl == 0 else osem1
                pltpu.make_async_copy(
                    PT_h.at[idx_v.at[pl.ds(ch * CH, CH)]],
                    rows_v.at[sl], gsem).wait()
                @pl.when(t > 0)
                def _():
                    pltpu.make_async_copy(
                        m_v.at[sl],
                        M_h.at[pl.ds(pbase + (ch - 2) * PPC, PPC)],
                        osem).wait()
                compute(ch, sl)
                pltpu.async_copy(
                    m_v.at[sl], M_h.at[pl.ds(pbase + ch * PPC, PPC)], osem)
                @pl.when(ch + 2 < nch)
                def _():
                    issue_gather(ch + 2, sl)
            return ()

        issue_gather(0, 0)
        issue_gather(1, 1)
        lax.fori_loop(0, nch // 2, body2, (), unroll=False)
        pltpu.make_async_copy(
            m_v.at[0], M_h.at[pl.ds(pbase + (nch - 2) * PPC, PPC)],
            osem0).wait()
        pltpu.make_async_copy(
            m_v.at[1], M_h.at[pl.ds(pbase + (nch - 1) * PPC, PPC)],
            osem1).wait()

    return k(PT, nb, AC, Wl)


_PB = 64
_RB = _PB * KNN
_WB = _RB * 16 // 128
_PID = np.repeat(np.arange(_PB), KNN)
_EPERM = np.array([8 * (i % (_RB // 8)) + i // (_RB // 8)
                   for i in range(_RB)])
_PIDP = _PID[_EPERM]
_SAME = (_PIDP[:, None] == _PIDP[None, :]).astype(np.float32)
_CM0 = np.zeros((16,), np.float32); _CM0[[3, 6, 9]] = 1.0
_CM1 = np.zeros((16,), np.float32); _CM1[[4, 7, 10]] = 1.0
_THR = [math.cos(15.0 * (j + 1) * 3.141592653 / 180.0) for j in range(4)]


def _cons_body(ge_ref, same_ref, cm_ref, o_ref, *, nblk):
    i = pl.program_id(0)
    j2 = i // (nblk // 4)
    t = jnp.float32(_THR[0])
    for jj in (1, 2, 3):
        t = jnp.where(j2 == jj, jnp.float32(_THR[jj]), t)
    blk = ge_ref[...]
    rows = jnp.concatenate([blk[:, 16 * g:16 * (g + 1)] for g in range(8)],
                           axis=0)
    same = same_ref[...]
    out = []
    for q in (0, 1):
        x = rows * cm_ref[q, :][None, :]
        g = jax.lax.dot_general(x, rows, (((1,), (1,)), ((), ())),
                                preferred_element_type=jnp.float32)
        s = jnp.sum(jnp.where(g < t, g, 0.0) * same)
        cnt = jnp.sum(jnp.where(g < t, same, 0.0))
        out += [s, cnt]
    lane = jax.lax.broadcasted_iota(jnp.int32, (1, 128), 1)
    vec = jnp.zeros((1, 128), jnp.float32)
    base = j2 * 4
    for q in range(4):
        vec = jnp.where(lane == base + q, out[q], vec)
    o_ref[...] = vec.reshape(1, 1, 128)


def _cons(ge_wide):
    nblk = ge_wide.shape[0] // _WB
    same = jnp.asarray(_SAME)
    cm = jnp.stack([jnp.asarray(_CM0), jnp.asarray(_CM1)])
    return pl.pallas_call(
        functools.partial(_cons_body, nblk=nblk),
        grid=(nblk,),
        in_specs=[pl.BlockSpec((_WB, 128), lambda i: (i, 0)),
                  pl.BlockSpec((_RB, _RB), lambda i: (0, 0)),
                  pl.BlockSpec((2, 16), lambda i: (0, 0))],
        out_specs=pl.BlockSpec((1, 1, 128), lambda i: (i, 0, 0)),
        out_shape=jax.ShapeDtypeStruct((nblk, 1, 128), jnp.float32),
    )(ge_wide, same, cm)


def _head_body(x_ref, v1_ref, s1_ref, b1_ref, v2_ref, s2_ref, b2_ref,
               v3_ref, s3_ref, b3_ref, o_ref):
    x = x_ref[...]
    h = jnp.dot(x, v1_ref[...].T, preferred_element_type=jnp.float32)
    h = jnp.maximum(h * s1_ref[...] + b1_ref[...], 0.0)
    h = jnp.dot(h, v2_ref[...].T, preferred_element_type=jnp.float32)
    h = jnp.maximum(h * s2_ref[...] + b2_ref[...], 0.0)
    h = jnp.dot(h, v3_ref[...].T, preferred_element_type=jnp.float32)
    h = h * s3_ref[...] + b3_ref[...]
    m = jnp.max(h, axis=-1, keepdims=True)
    z = h - m
    lse = jnp.log(jnp.sum(jnp.exp(z), axis=-1, keepdims=True))
    o_ref[...] = z - lse


def _head(x, fc1_v, fc1_g, fc1_b, fc2_v, fc2_g, fc2_b, fc3_v, fc3_g, fc3_b):
    R, C = x.shape
    BR = 2048
    s1 = (fc1_g / jnp.linalg.norm(fc1_v, axis=1))[None, :]
    s2 = (fc2_g / jnp.linalg.norm(fc2_v, axis=1))[None, :]
    s3 = (fc3_g / jnp.linalg.norm(fc3_v, axis=1))[None, :]
    full = lambda shape: pl.BlockSpec(shape, lambda i: (0, 0))
    return pl.pallas_call(
        _head_body,
        grid=(R // BR,),
        in_specs=[
            pl.BlockSpec((BR, C), lambda i: (i, 0)),
            full(fc1_v.shape), full((1, 512)), full((1, 512)),
            full(fc2_v.shape), full((1, 256)), full((1, 256)),
            full(fc3_v.shape), full((1, 40)), full((1, 40)),
        ],
        out_specs=pl.BlockSpec((BR, 40), lambda i: (i, 0)),
        out_shape=jax.ShapeDtypeStruct((R, 40), jnp.float32),
    )(x, fc1_v, s1, fc1_b[None, :], fc2_v, s2, fc2_b[None, :],
      fc3_v, s3, fc3_b[None, :])


def kernel(xyz, neighbors, data_idxes, local_axises, cls_label, W0, b0, W02,
           b02, W1, b1, W12, b12, W2, b2, fc1_v, fc1_g, fc1_b, fc2_v, fc2_g,
           fc2_b, fc3_v, fc3_g, fc3_b):
    B, N, _ = xyz.shape
    K = KNN
    R = B * N
    boff = (jnp.arange(B, dtype=jnp.int32) * N)[:, None]

    nb = [(neighbors[:, j * N:(j + 1) * N, 0:K].astype(jnp.int32)
           + boff[:, :, None]).reshape(-1) for j in range(4)]
    di = [(data_idxes[:, j * N:(j + 1) * N].astype(jnp.int32)
           + boff).reshape(-1) for j in range(4)]
    A = [local_axises[:, j * N:(j + 1) * N].reshape(R, 3, 3) for j in range(4)]

    def pad16(t):
        return jnp.pad(t, ((0, 0), (0, 16 - t.shape[1])))

    xyzf = xyz.reshape(R, 3)
    xyzp = pad16(xyzf)

    c1 = _gather(xyzp, di[0])
    c2 = _gather(c1, di[1])
    c3 = _gather(c2, di[2])
    c4 = _gather(c3, di[3])
    c = [c1, c2, c3, c4]
    s1 = c1
    s2 = _gather(s1, di[0])
    s3 = _gather(s2, di[1])
    s4 = _gather(s3, di[2])
    s5 = _gather(s4, di[3])
    s = [xyzp, s1, s2, s3, s4, s5]

    packed = jnp.concatenate([
        jnp.concatenate([c[j][:, 0:3], A[j].reshape(R, 9)], axis=1)
        for j in range(4)], axis=0)
    packed = pad16(packed)
    nb_all = jnp.concatenate([nb[j] + j * R for j in range(4)], axis=0)
    ge_wide = _gather(packed, nb_all).reshape(-1, 128)

    part = jnp.sum(_cons(ge_wide), axis=(0, 1))
    lc_cons = jnp.asarray(0.0, jnp.float32)
    for j in range(4):
        for q in (0, 2):
            sm = part[j * 4 + q]
            cnt = part[j * 4 + q + 1]
            lc_cons = lc_cons + jnp.where(cnt > 0,
                                          sm / jnp.maximum(cnt, 1.0), 0.0)

    Ws = [W0, W02, W1, W12, W2]
    bs = [b0, b02, b1, b12, b2]
    lidx = [0, 0, 1, 2, 3]
    sdi = [di[0], di[0], di[1], di[2], di[3]]
    AC = [jnp.concatenate(
        [A[j].reshape(R, 9), c[j][:, 0:3], jnp.zeros((R, 4), jnp.float32)],
        axis=1) for j in range(4)]
    p = None
    for i in range(5):
        W = Ws[i]
        Wl, Wg = W[0:3], W[3:6]
        C = W.shape[1]
        T = jnp.dot(s[i][:, 0:3], Wg, preferred_element_type=jnp.float32)
        if p is not None:
            T = T + jnp.dot(p, W[6:], preferred_element_type=jnp.float32)
        T_l = _gather(T, sdi[i])
        j = lidx[i]
        PT = jnp.concatenate([T_l[:, 0:C], c[j][:, 0:16]], axis=1)
        M = _sc_layer(PT, nb[j], AC[j], Wl.reshape(-1), C)
        ctr = jnp.dot(s[i + 1][:, 0:3], Wg,
                      preferred_element_type=jnp.float32)
        p = jax.nn.relu(M + bs[i][None, :] - ctr)

    cls_one = jnp.repeat(cls_label[:, None, :], N, axis=1).reshape(R, -1)
    x = jnp.concatenate([p, cls_one], axis=-1)
    out = _head(x, fc1_v, fc1_g, fc1_b, fc2_v, fc2_g, fc2_b,
                fc3_v, fc3_g, fc3_b).reshape(B, N, 40)
    return (out, jnp.asarray(0.0, jnp.float32), lc_cons)

# --- scband reference (transcript-rebuilt; emitter-appended) ---
"""Pipeline reference for scband-main-net-35519379538315 (READ-ONLY COPY).

The authoritative reference and input builder live on the scoring server;
editing this copy changes nothing except your own understanding.
"""

import jax, jax.numpy as jnp
import numpy as np

KNN_NUM = 16


def index_points(points, idx):
    B = points.shape[0]
    bidx = jnp.arange(B).reshape((B,) + (1,) * (idx.ndim - 1))
    return points[bidx, idx]


def lc_consistence_loss(axis, neighbor, idx):
    B, N = axis.shape[0], axis.shape[1]
    af = axis.reshape(B, N, 9)
    grouped = index_points(af, neighbor).reshape(B * N, -1, 3, 3)
    x = grouped[:, :, :, 0]
    y = grouped[:, :, :, 1]
    xg = jnp.matmul(x, jnp.transpose(x, (0, 2, 1)))
    yg = jnp.matmul(y, jnp.transpose(y, (0, 2, 1)))
    threshold = jnp.cos(jnp.asarray(15.0 * (idx + 1) * 3.141592653 / 180.0, dtype=jnp.float32))

    def masked_mean(a):
        m = a < threshold
        cnt = jnp.sum(m)
        s = jnp.sum(jnp.where(m, a, 0.0))
        return jnp.where(cnt > 0, s / jnp.maximum(cnt, 1).astype(a.dtype), jnp.asarray(0.0, a.dtype))

    return masked_mean(xg) + masked_mean(yg)


def surface_conv(xyz, points, lc, nb, di, W, b):
    # reconstruction of SurfaceConvPurity: sample -> group neighbors ->
    # concat [local_coords(3), relative_xyz(3), grouped_feats(C)] -> shared MLP -> max-pool over K
    new_xyz = index_points(xyz, di)
    grouped_xyz = index_points(new_xyz, nb) - new_xyz[:, :, None, :]
    feats = [lc, grouped_xyz]
    if points is not None:
        new_points = index_points(points, di)
        feats.append(index_points(new_points, nb))
    feat = jnp.concatenate(feats, axis=-1)
    out = jax.nn.relu(jnp.matmul(feat, W) + b)
    return new_xyz, jnp.max(out, axis=2)


def wn_linear(x, v, g, b):
    W = g[:, None] * v / jnp.linalg.norm(v, axis=1, keepdims=True)
    return jnp.matmul(x, W.T) + b


def setup_inputs(seed: int = 0):
    key = jax.random.key(seed)
    ks = jax.random.split(key, 30)
    B, N = 4, 2048
    TOT = 4 * N
    inp = {}
    inp['xyz'] = jax.random.normal(ks[0], (B, N, 3), jnp.float32)
    inp['neighbors'] = jax.random.randint(ks[1], (B, TOT, 33), 0, N)
    inp['data_idxes'] = jax.random.randint(ks[2], (B, TOT), 0, N)
    inp['local_axises'] = jax.random.normal(ks[3], (B, TOT, 3, 3), jnp.float32)
    inp['cls_label'] = jax.random.uniform(ks[4], (B, 16), jnp.float32)

    def w(k, shape, scale=0.05):
        return jax.random.normal(k, shape, jnp.float32) * scale

    inp['W0'] = w(ks[5], (6, 32)); inp['b0'] = jnp.zeros((32,), jnp.float32)
    inp['W02'] = w(ks[6], (38, 32)); inp['b02'] = jnp.zeros((32,), jnp.float32)
    inp['W1'] = w(ks[7], (38, 128)); inp['b1'] = jnp.zeros((128,), jnp.float32)
    inp['W12'] = w(ks[8], (134, 128)); inp['b12'] = jnp.zeros((128,), jnp.float32)
    inp['W2'] = w(ks[9], (134, 256)); inp['b2'] = jnp.zeros((256,), jnp.float32)
    inp['fc1_v'] = w(ks[10], (512, 272)); inp['fc1_g'] = jnp.ones((512,), jnp.float32); inp['fc1_b'] = jnp.zeros((512,), jnp.float32)
    inp['fc2_v'] = w(ks[11], (256, 512)); inp['fc2_g'] = jnp.ones((256,), jnp.float32); inp['fc2_b'] = jnp.zeros((256,), jnp.float32)
    inp['fc3_v'] = w(ks[12], (40, 256)); inp['fc3_g'] = jnp.ones((40,), jnp.float32); inp['fc3_b'] = jnp.zeros((40,), jnp.float32)
    return inp


def reference(xyz, neighbors, data_idxes, local_axises, cls_label, W0, b0, W02, b02, W1, b1, W12, b12, W2, b2, fc1_v, fc1_g, fc1_b, fc2_v, fc2_g, fc2_b, fc3_v, fc3_g, fc3_b):
    B, N, C = xyz.shape
    point_num = [N, N, N, N]
    cid = 0
    current_xyz = xyz
    lcs, nbs, dis = [], [], []
    lc_cons = jnp.asarray(0.0, jnp.float32)
    for idx, pn in enumerate(point_num):
        NBs = neighbors[:, cid:cid + pn, 0:KNN_NUM + 1]
        DIs = data_idxes[:, cid:cid + pn]
        local_ax = local_axises[:, cid:cid + pn]
        current_xyz = index_points(current_xyz, DIs)
        grouped_xyz = index_points(current_xyz[:, :, 0:3], NBs) - current_xyz[:, :, None, 0:3]
        lc = jnp.matmul(grouped_xyz, local_ax)
        lc_cons = lc_cons + lc_consistence_loss(local_ax, NBs, idx)
        lcs.append(lc); nbs.append(NBs); dis.append(DIs)
        cid += pn

    # SurfaceNet (localnet): sa0 -> sa02 -> sa1 -> sa12 -> sa2
    l_xyz, l_pts = surface_conv(xyz, None, lcs[0], nbs[0], dis[0], W0, b0)
    l_xyz, l_pts = surface_conv(l_xyz, l_pts, lcs[0], nbs[0], dis[0], W02, b02)
    l_xyz, l_pts = surface_conv(l_xyz, l_pts, lcs[1], nbs[1], dis[1], W1, b1)
    l_xyz, l_pts = surface_conv(l_xyz, l_pts, lcs[2], nbs[2], dis[2], W12, b12)
    l_xyz, l_pts = surface_conv(l_xyz, l_pts, lcs[3], nbs[3], dis[3], W2, b2)

    cls_one = jnp.repeat(cls_label[:, None, :], N, axis=1)
    x = jnp.concatenate([l_pts, cls_one], axis=-1)
    x = jax.nn.relu(wn_linear(x, fc1_v, fc1_g, fc1_b))
    x = jax.nn.relu(wn_linear(x, fc2_v, fc2_g, fc2_b))
    x = wn_linear(x, fc3_v, fc3_g, fc3_b)
    x = jax.nn.log_softmax(x, axis=-1)
    return (x, jnp.asarray(0.0, jnp.float32), lc_cons)

if __name__ == "__main__":
    import jax
    _d = setup_inputs()
    print(jax.jit(kernel)(*tuple(_d.values())))

</pallas_src>

<mosaic_0001>
#map = affine_map<(d0, d1) -> (0, 0)>
#map1 = affine_map<(d0, d1) -> (0)>
module attributes {stable_mosaic.version = 14 : i64} {
  func.func @k(%arg0: i32, %arg1: i32, %arg2: memref<8192x16xf32, #tpu.memory_space<hbm>>, %arg3: memref<8192xi32, #tpu.memory_space<hbm>>, %arg4: memref<8192x16xf32, #tpu.memory_space<hbm>>, %arg5: memref<256xi32, #tpu.memory_space<vmem>>, %arg6: memref<2x256x16xf32, #tpu.memory_space<vmem>>, %arg7: memref<!tpu.dma_semaphore, #tpu.memory_space<semaphore_mem>>, %arg8: memref<!tpu.dma_semaphore, #tpu.memory_space<semaphore_mem>>, %arg9: memref<!tpu.dma_semaphore, #tpu.memory_space<semaphore_mem>>) attributes {dimension_semantics = [#tpu.dimension_semantics<core_parallel>, #tpu.dimension_semantics<subcore_parallel>], iteration_bounds = array<i64: 2, 16>, scalar_prefetch = 0 : i64, scratch_operands = 5 : i64, tpu.core_type = #tpu.core_type<sc_vector_subcore>, window_params = [{transform_indices = #map}, {transform_indices = #map1}, {transform_indices = #map}]} {
    %mul3A = arith.constant 2 : i32
    %mul3A_0 = arith.muli %arg1, %mul3A : i32
    %add3A = arith.addi %mul3A_0, %arg0 : i32
    %mul3A_1 = arith.constant 256 : i32
    %mul3A_2 = arith.muli %add3A, %mul3A_1 : i32
    "tpu.region"() ({
      %run_scoped3A = tpu.sem_alloc : memref<!tpu.dma_semaphore, #tpu.memory_space<semaphore_mem>>
      %dma_start3A_66 = tpu.memref_slice %arg3[%mul3A_2] : memref<8192xi32, #tpu.memory_space<hbm>> -> memref<256xi32, #tpu.memory_space<hbm>>
      %dma_start3A_67 = tpu.memref_slice %arg3[%mul3A_2] : memref<8192xi32, #tpu.memory_space<hbm>> -> memref<256xi32, #tpu.memory_space<hbm>>
      tpu.enqueue_dma source(%dma_start3A_67 : memref<256xi32, #tpu.memory_space<hbm>>) target(%arg5 : memref<256xi32, #tpu.memory_space<vmem>>) target_semaphore(%run_scoped3A : memref<!tpu.dma_semaphore, #tpu.memory_space<semaphore_mem>>)
      %dma_wait3A_68 = tpu.memref_slice %arg3[%mul3A_2] : memref<8192xi32, #tpu.memory_space<hbm>> -> memref<256xi32, #tpu.memory_space<hbm>>
      %dma_wait3A_69 = tpu.memref_slice %arg3[%mul3A_2] : memref<8192xi32, #tpu.memory_space<hbm>> -> memref<256xi32, #tpu.memory_space<hbm>>
      tpu.wait_dma2 semaphore(%run_scoped3A : memref<!tpu.dma_semaphore, #tpu.memory_space<semaphore_mem>>) src(%dma_wait3A_69 : memref<256xi32, #tpu.memory_space<hbm>>) dst(%arg5 : memref<256xi32, #tpu.memory_space<vmem>>)
      tpu.yield
    }) : () -> ()
    %scan3A = arith.constant 0 : i32
    %mul3A_3 = arith.constant 2 : i32
    %mul3A_4 = arith.muli %mul3A_3, %scan3A : i32
    %eq3A = arith.constant 0 : i32
    %eq3A_5 = arith.cmpi eq, %scan3A, %eq3A : i32
    %not3A = arith.constant true
    %not3A_6 = arith.xori %eq3A_5, %not3A : i1
    %convert_element_type3A = arith.extui %not3A_6 : i1 to i32
    %cond3A = arith.constant 0 : i32
    %cond3A_7 = arith.cmpi ne, %convert_element_type3A, %cond3A : i32
    scf.if %cond3A_7 {
      %sub3A = arith.constant 2 : i32
      %sub3A_66 = arith.subi %mul3A_4, %sub3A : i32
      %mul3A_67 = arith.constant 256 : i32
      %mul3A_68 = arith.muli %sub3A_66, %mul3A_67 : i32
      %add3A_69 = arith.addi %mul3A_2, %mul3A_68 : i32
      %dma_wait3A_70 = arith.constant 0 : i32
      %dma_wait3A_71 = arith.constant 0 : i32
      %dma_wait3A_72 = arith.constant 0 : i32
      %dma_wait3A_73 = tpu.memref_slice %arg6[%dma_wait3A_70, %dma_wait3A_71, %dma_wait3A_72] : memref<2x256x16xf32, #tpu.memory_space<vmem>> -> memref<1x256x16xf32, #tpu.memory_space<vmem>>
      %dma_wait3A_74 = tpu.memref_squeeze %dma_wait3A_73 : memref<1x256x16xf32, #tpu.memory_space<vmem>> -> memref<256x16xf32, #tpu.memory_space<vmem>>
      %dma_wait3A_75 = arith.constant 0 : i32
      %dma_wait3A_76 = tpu.memref_slice %arg4[%add3A_69, %dma_wait3A_75] : memref<8192x16xf32, #tpu.memory_space<hbm>> -> memref<256x16xf32, #tpu.memory_space<hbm>>
      %dma_wait3A_77 = arith.constant 0 : i32
      %dma_wait3A_78 = tpu.memref_slice %arg4[%add3A_69, %dma_wait3A_77] : memref<8192x16xf32, #tpu.memory_space<hbm>> -> memref<256x16xf32, #tpu.memory_space<hbm>>
      %dma_wait3A_79 = arith.constant 0 : i32
      %dma_wait3A_80 = arith.constant 0 : i32
      %dma_wait3A_81 = tpu.memref_slice %arg6[%dma_wait3A_70, %dma_wait3A_79, %dma_wait3A_80] : memref<2x256x16xf32, #tpu.memory_space<vmem>> -> memref<1x256x16xf32, #tpu.memory_space<vmem>>
      %dma_wait3A_82 = tpu.memref_squeeze %dma_wait3A_81 : memref<1x256x16xf32, #tpu.memory_space<vmem>> -> memref<256x16xf32, #tpu.memory_space<vmem>>
      tpu.wait_dma2 semaphore(%arg8 : memref<!tpu.dma_semaphore, #tpu.memory_space<semaphore_mem>>) src(%dma_wait3A_82 : memref<256x16xf32, #tpu.memory_space<vmem>>) dst(%dma_wait3A_78 : memref<256x16xf32, #tpu.memory_space<hbm>>)
    } else {
    }
    %mul3A_8 = arith.constant 256 : i32
    %mul3A_9 = arith.muli %mul3A_4, %mul3A_8 : i32
    %dma_start3A = arith.constant 0 : i32
    %dma_start3A_10 = arith.constant 0 : i32
    %dma_start3A_11 = arith.constant 0 : i32
    %dma_start3A_12 = tpu.memref_slice %arg6[%dma_start3A, %dma_start3A_10, %dma_start3A_11] : memref<2x256x16xf32, #tpu.memory_space<vmem>> -> memref<1x256x16xf32, #tpu.memory_space<vmem>>
    %dma_start3A_13 = tpu.memref_squeeze %dma_start3A_12 : memref<1x256x16xf32, #tpu.memory_space<vmem>> -> memref<256x16xf32, #tpu.memory_space<vmem>>
    %dma_start3A_14 = tpu.memref_slice %arg5[%mul3A_9] : memref<256xi32, #tpu.memory_space<vmem>> -> memref<256xi32, #tpu.memory_space<vmem>>
    %dma_start3A_15 = arith.constant 0 : i32
    %dma_start3A_16 = arith.constant 0 : i32
    %dma_start3A_17 = tpu.memref_slice %arg2[%dma_start3A_15, %dma_start3A_16] : memref<8192x16xf32, #tpu.memory_space<hbm>> -> memref<8192x16xf32, #tpu.memory_space<hbm>>
    tpu.enqueue_indirect_dma source(%dma_start3A_17 : memref<8192x16xf32, #tpu.memory_space<hbm>>) target(%dma_start3A_13 : memref<256x16xf32, #tpu.memory_space<vmem>>) offsets(%dma_start3A_14 : memref<256xi32, #tpu.memory_space<vmem>>) semaphore(%arg7 : memref<!tpu.dma_semaphore, #tpu.memory_space<semaphore_mem>>)
    %dma_wait3A = arith.constant 0 : i32
    %dma_wait3A_18 = arith.constant 0 : i32
    %dma_wait3A_19 = arith.constant 0 : i32
    %dma_wait3A_20 = tpu.memref_slice %arg6[%dma_wait3A, %dma_wait3A_18, %dma_wait3A_19] : memref<2x256x16xf32, #tpu.memory_space<vmem>> -> memref<1x256x16xf32, #tpu.memory_space<vmem>>
    %dma_wait3A_21 = tpu.memref_squeeze %dma_wait3A_20 : memref<1x256x16xf32, #tpu.memory_space<vmem>> -> memref<256x16xf32, #tpu.memory_space<vmem>>
    %dma_wait3A_22 = tpu.memref_slice %arg5[%mul3A_9] : memref<256xi32, #tpu.memory_space<vmem>> -> memref<256xi32, #tpu.memory_space<vmem>>
    %dma_wait3A_23 = arith.constant 0 : i32
    %dma_wait3A_24 = arith.constant 0 : i32
    %dma_wait3A_25 = tpu.memref_slice %arg2[%dma_wait3A_23, %dma_wait3A_24] : memref<8192x16xf32, #tpu.memory_space<hbm>> -> memref<8192x16xf32, #tpu.memory_space<hbm>>
    tpu.wait_indirect_dma semaphore(%arg7 : memref<!tpu.dma_semaphore, #tpu.memory_space<semaphore_mem>>) src(%dma_wait3A_25 : memref<8192x16xf32, #tpu.memory_space<hbm>>) dst(%dma_wait3A_21 : memref<256x16xf32, #tpu.memory_space<vmem>>)
    %mul3A_26 = arith.constant 256 : i32
    %mul3A_27 = arith.muli %mul3A_4, %mul3A_26 : i32
    %add3A_28 = arith.addi %mul3A_2, %mul3A_27 : i32
    %dma_start3A_29 = arith.constant 0 : i32
    %dma_start3A_30 = arith.constant 0 : i32
    %dma_start3A_31 = arith.constant 0 : i32
    %dma_start3A_32 = tpu.memref_slice %arg6[%dma_start3A_29, %dma_start3A_30, %dma_start3A_31] : memref<2x256x16xf32, #tpu.memory_space<vmem>> -> memref<1x256x16xf32, #tpu.memory_space<vmem>>
    %dma_start3A_33 = tpu.memref_squeeze %dma_start3A_32 : memref<1x256x16xf32, #tpu.memory_space<vmem>> -> memref<256x16xf32, #tpu.memory_space<vmem>>
    %dma_start3A_34 = arith.constant 0 : i32
    %dma_start3A_35 = tpu.memref_slice %arg4[%add3A_28, %dma_start3A_34] : memref<8192x16xf32, #tpu.memory_space<hbm>> -> memref<256x16xf32, #tpu.memory_space<hbm>>
    %dma_start3A_36 = arith.constant 0 : i32
    %dma_start3A_37 = tpu.memref_slice %arg4[%add3A_28, %dma_start3A_36] : memref<8192x16xf32, #tpu.memory_space<hbm>> -> memref<256x16xf32, #tpu.memory_space<hbm>>
    %dma_start3A_38 = arith.constant 0 : i32
    %dma_start3A_39 = arith.constant 0 : i32
    %dma_start3A_40 = tpu.memref_slice %arg6[%dma_start3A_29, %dma_start3A_38, %dma_start3A_39] : memref<2x256x16xf32, #tpu.memory_space<vmem>> -> memref<1x256x16xf32, #tpu.memory_space<vmem>>
    %dma_start3A_41 = tpu.memref_squeeze %dma_start3A_40 : memref<1x256x16xf32, #tpu.memory_space<vmem>> -> memref<256x16xf32, #tpu.memory_space<vmem>>
    tpu.enqueue_dma source(%dma_start3A_41 : memref<256x16xf32, #tpu.memory_space<vmem>>) target(%dma_start3A_37 : memref<256x16xf32, #tpu.memory_space<hbm>>) target_semaphore(%arg8 : memref<!tpu.dma_semaphore, #tpu.memory_space<semaphore_mem>>)
    %mul3A_42 = arith.constant 2 : i32
    %mul3A_43 = arith.muli %mul3A_42, %scan3A : i32
    %add3A_44 = arith.constant 1 : i32
    %add3A_45 = arith.addi %mul3A_43, %add3A_44 : i32
    %lt3A = arith.constant 1 : i32
    %lt3A_46 = arith.cmpi slt, %add3A_45, %lt3A : i32
    %convert_element_type3A_47 = arith.extui %lt3A_46 : i1 to i32
    %cond3A_48 = arith.constant 0 : i32
    %cond3A_49 = arith.cmpi ne, %convert_element_type3A_47, %cond3A_48 : i32
    scf.if %cond3A_49 {
      %mul3A_66 = arith.constant 2 : i32
      %mul3A_67 = arith.muli %mul3A_66, %scan3A : i32
      %add3A_68 = arith.constant 1 : i32
      %add3A_69 = arith.addi %mul3A_67, %add3A_68 : i32
      %eq3A_70 = arith.constant 0 : i32
      %eq3A_71 = arith.cmpi eq, %scan3A, %eq3A_70 : i32
      %not3A_72 = arith.constant true
      %not3A_73 = arith.xori %eq3A_71, %not3A_72 : i1
      %convert_element_type3A_74 = arith.extui %not3A_73 : i1 to i32
      %cond3A_75 = arith.constant 0 : i32
      %cond3A_76 = arith.cmpi ne, %convert_element_type3A_74, %cond3A_75 : i32
      scf.if %cond3A_76 {
        %sub3A = arith.constant 2 : i32
        %sub3A_113 = arith.subi %add3A_69, %sub3A : i32
        %mul3A_114 = arith.constant 256 : i32
        %mul3A_115 = arith.muli %sub3A_113, %mul3A_114 : i32
        %add3A_116 = arith.addi %mul3A_2, %mul3A_115 : i32
        %dma_wait3A_117 = arith.constant 1 : i32
        %dma_wait3A_118 = arith.constant 0 : i32
        %dma_wait3A_119 = arith.constant 0 : i32
        %dma_wait3A_120 = tpu.memref_slice %arg6[%dma_wait3A_117, %dma_wait3A_118, %dma_wait3A_119] : memref<2x256x16xf32, #tpu.memory_space<vmem>> -> memref<1x256x16xf32, #tpu.memory_space<vmem>>
        %dma_wait3A_121 = tpu.memref_squeeze %dma_wait3A_120 : memref<1x256x16xf32, #tpu.memory_space<vmem>> -> memref<256x16xf32, #tpu.memory_space<vmem>>
        %dma_wait3A_122 = arith.constant 0 : i32
        %dma_wait3A_123 = tpu.memref_slice %arg4[%add3A_116, %dma_wait3A_122] : memref<8192x16xf32, #tpu.memory_space<hbm>> -> memref<256x16xf32, #tpu.memory_space<hbm>>
        %dma_wait3A_124 = arith.constant 0 : i32
        %dma_wait3A_125 = tpu.memref_slice %arg4[%add3A_116, %dma_wait3A_124] : memref<8192x16xf32, #tpu.memory_space<hbm>> -> memref<256x16xf32, #tpu.memory_space<hbm>>
        %dma_wait3A_126 = arith.constant 0 : i32
        %dma_wait3A_127 = arith.constant 0 : i32
        %dma_wait3A_128 = tpu.memref_slice %arg6[%dma_wait3A_117, %dma_wait3A_126, %dma_wait3A_127] : memref<2x256x16xf32, #tpu.memory_space<vmem>> -> memref<1x256x16xf32, #tpu.memory_space<vmem>>
        %dma_wait3A_129 = tpu.memref_squeeze %dma_wait3A_128 : memref<1x256x16xf32, #tpu.memory_space<vmem>> -> memref<256x16xf32, #tpu.memory_space<vmem>>
        tpu.wait_dma2 semaphore(%arg9 : memref<!tpu.dma_semaphore, #tpu.memory_space<semaphore_mem>>) src(%dma_wait3A_129 : memref<256x16xf32, #tpu.memory_space<vmem>>) dst(%dma_wait3A_125 : memref<256x16xf32, #tpu.memory_space<hbm>>)
      } else {
      }
      %mul3A_77 = arith.constant 256 : i32
      %mul3A_78 = arith.muli %add3A_69, %mul3A_77 : i32
      %dma_start3A_79 = arith.constant 1 : i32
      %dma_start3A_80 = arith.constant 0 : i32
      %dma_start3A_81 = arith.constant 0 : i32
      %dma_start3A_82 = tpu.memref_slice %arg6[%dma_start3A_79, %dma_start3A_80, %dma_start3A_81] : memref<2x256x16xf32, #tpu.memory_space<vmem>> -> memref<1x256x16xf32, #tpu.memory_space<vmem>>
      %dma_start3A_83 = tpu.memref_squeeze %dma_start3A_82 : memref<1x256x16xf32, #tpu.memory_space<vmem>> -> memref<256x16xf32, #tpu.memory_space<vmem>>
      %dma_start3A_84 = tpu.memref_slice %arg5[%mul3A_78] : memref<256xi32, #tpu.memory_space<vmem>> -> memref<256xi32, #tpu.memory_space<vmem>>
      %dma_start3A_85 = arith.constant 0 : i32
      %dma_start3A_86 = arith.constant 0 : i32
      %dma_start3A_87 = tpu.memref_slice %arg2[%dma_start3A_85, %dma_start3A_86] : memref<8192x16xf32, #tpu.memory_space<hbm>> -> memref<8192x16xf32, #tpu.memory_space<hbm>>
      tpu.enqueue_indirect_dma source(%dma_start3A_87 : memref<8192x16xf32, #tpu.memory_space<hbm>>) target(%dma_start3A_83 : memref<256x16xf32, #tpu.memory_space<vmem>>) offsets(%dma_start3A_84 : memref<256xi32, #tpu.memory_space<vmem>>) semaphore(%arg7 : memref<!tpu.dma_semaphore, #tpu.memory_space<semaphore_mem>>)
      %dma_wait3A_88 = arith.constant 1 : i32
      %dma_wait3A_89 = arith.constant 0 : i32
      %dma_wait3A_90 = arith.constant 0 : i32
      %dma_wait3A_91 = tpu.memref_slice %arg6[%dma_wait3A_88, %dma_wait3A_89, %dma_wait3A_90] : memref<2x256x16xf32, #tpu.memory_space<vmem>> -> memref<1x256x16xf32, #tpu.memory_space<vmem>>
      %dma_wait3A_92 = tpu.memref_squeeze %dma_wait3A_91 : memref<1x256x16xf32, #tpu.memory_space<vmem>> -> memref<256x16xf32, #tpu.memory_space<vmem>>
      %dma_wait3A_93 = tpu.memref_slice %arg5[%mul3A_78] : memref<256xi32, #tpu.memory_space<vmem>> -> memref<256xi32, #tpu.memory_space<vmem>>
      %dma_wait3A_94 = arith.constant 0 : i32
      %dma_wait3A_95 = arith.constant 0 : i32
      %dma_wait3A_96 = tpu.memref_slice %arg2[%dma_wait3A_94, %dma_wait3A_95] : memref<8192x16xf32, #tpu.memory_space<hbm>> -> memref<8192x16xf32, #tpu.memory_space<hbm>>
      tpu.wait_indirect_dma semaphore(%arg7 : memref<!tpu.dma_semaphore, #tpu.memory_space<semaphore_mem>>) src(%dma_wait3A_96 : memref<8192x16xf32, #tpu.memory_space<hbm>>) dst(%dma_wait3A_92 : memref<256x16xf32, #tpu.memory_space<vmem>>)
      %mul3A_97 = arith.constant 256 : i32
      %mul3A_98 = arith.muli %add3A_69, %mul3A_97 : i32
      %add3A_99 = arith.addi %mul3A_2, %mul3A_98 : i32
      %dma_start3A_100 = arith.constant 1 : i32
      %dma_start3A_101 = arith.constant 0 : i32
      %dma_start3A_102 = arith.constant 0 : i32
      %dma_start3A_103 = tpu.memref_slice %arg6[%dma_start3A_100, %dma_start3A_101, %dma_start3A_102] : memref<2x256x16xf32, #tpu.memory_space<vmem>> -> memref<1x256x16xf32, #tpu.memory_space<vmem>>
      %dma_start3A_104 = tpu.memref_squeeze %dma_start3A_103 : memref<1x256x16xf32, #tpu.memory_space<vmem>> -> memref<256x16xf32, #tpu.memory_space<vmem>>
      %dma_start3A_105 = arith.constant 0 : i32
      %dma_start3A_106 = tpu.memref_slice %arg4[%add3A_99, %dma_start3A_105] : memref<8192x16xf32, #tpu.memory_space<hbm>> -> memref<256x16xf32, #tpu.memory_space<hbm>>
      %dma_start3A_107 = arith.constant 0 : i32
      %dma_start3A_108 = tpu.memref_slice %arg4[%add3A_99, %dma_start3A_107] : memref<8192x16xf32, #tpu.memory_space<hbm>> -> memref<256x16xf32, #tpu.memory_space<hbm>>
      %dma_start3A_109 = arith.constant 0 : i32
      %dma_start3A_110 = arith.constant 0 : i32
      %dma_start3A_111 = tpu.memref_slice %arg6[%dma_start3A_100, %dma_start3A_109, %dma_start3A_110] : memref<2x256x16xf32, #tpu.memory_space<vmem>> -> memref<1x256x16xf32, #tpu.memory_space<vmem>>
      %dma_start3A_112 = tpu.memref_squeeze %dma_start3A_111 : memref<1x256x16xf32, #tpu.memory_space<vmem>> -> memref<256x16xf32, #tpu.memory_space<vmem>>
      tpu.enqueue_dma source(%dma_start3A_112 : memref<256x16xf32, #tpu.memory_space<vmem>>) target(%dma_start3A_108 : memref<256x16xf32, #tpu.memory_space<hbm>>) target_semaphore(%arg9 : memref<!tpu.dma_semaphore, #tpu.memory_space<semaphore_mem>>)
    } else {
    }
    %scan3A_50 = arith.constant 1 : i32
    %add3A_51 = arith.constant 0 : i32
    %add3A_52 = arith.addi %mul3A_2, %add3A_51 : i32
    %dma_wait3A_53 = arith.constant 0 : i32
    %dma_wait3A_54 = arith.constant 0 : i32
    %dma_wait3A_55 = arith.constant 0 : i32
    %dma_wait3A_56 = tpu.memref_slice %arg6[%dma_wait3A_53, %dma_wait3A_54, %dma_wait3A_55] : memref<2x256x16xf32, #tpu.memory_space<vmem>> -> memref<1x256x16xf32, #tpu.memory_space<vmem>>
    %dma_wait3A_57 = tpu.memref_squeeze %dma_wait3A_56 : memref<1x256x16xf32, #tpu.memory_space<vmem>> -> memref<256x16xf32, #tpu.memory_space<vmem>>
    %dma_wait3A_58 = arith.constant 0 : i32
    %dma_wait3A_59 = tpu.memref_slice %arg4[%add3A_52, %dma_wait3A_58] : memref<8192x16xf32, #tpu.memory_space<hbm>> -> memref<256x16xf32, #tpu.memory_space<hbm>>
    %dma_wait3A_60 = arith.constant 0 : i32
    %dma_wait3A_61 = tpu.memref_slice %arg4[%add3A_52, %dma_wait3A_60] : memref<8192x16xf32, #tpu.memory_space<hbm>> -> memref<256x16xf32, #tpu.memory_space<hbm>>
    %dma_wait3A_62 = arith.constant 0 : i32
    %dma_wait3A_63 = arith.constant 0 : i32
    %dma_wait3A_64 = tpu.memref_slice %arg6[%dma_wait3A_53, %dma_wait3A_62, %dma_wait3A_63] : memref<2x256x16xf32, #tpu.memory_space<vmem>> -> memref<1x256x16xf32, #tpu.memory_space<vmem>>
    %dma_wait3A_65 = tpu.memref_squeeze %dma_wait3A_64 : memref<1x256x16xf32, #tpu.memory_space<vmem>> -> memref<256x16xf32, #tpu.memory_space<vmem>>
    tpu.wait_dma2 semaphore(%arg8 : memref<!tpu.dma_semaphore, #tpu.memory_space<semaphore_mem>>) src(%dma_wait3A_65 : memref<256x16xf32, #tpu.memory_space<vmem>>) dst(%dma_wait3A_61 : memref<256x16xf32, #tpu.memory_space<hbm>>)
    return
  }
}

</mosaic_0001>

<sc_bundles>
// kernel: _sc_gather.3.cloned.1.call-start
scs
__scs_entry_jumppad:
0x0: {  	(pc) =	sbr.rel $0x88, $3  }
0x1: {  	(tag) =	ssettag $0x0;
	lr =	simm.s32 $0x1  }
0x2: {  	[smem:$0x3F9F] =	sst lr;
	_ =	strace $0xD0000000  }
0x3: {  	_ = 	snop  }
0x4: {  	_ = 	snop  }
0x5: {  	_ = 	snop  }
0x6: {  	_ = 	snop  }
0x7: {  	_ = 	snop  }
__scs_overlays_trampoline_lowered:
0x8: {  	[smem:$0x3FAE] =	sst s0  }
0x9: {  	[smem:$0x3FAF] =	sst s1  }
0xa: {  	[smem:$0x3FB0] =	sst s2  }
0xb: {  	[smem:$0x3FB1] =	sst s3  }
0xc: {  	[smem:$0x3FB2] =	sst s4  }
0xd: {  	[smem:$0x3FB3] =	sst s5  }
0xe: {  	[smem:$0x3FB4] =	sst s6  }
0xf: {  	[smem:$0x3FB5] =	sst s7  }
0x10: {  	[smem:$0x3FB6] =	sst s8  }
0x11: {  	[smem:$0x3FB7] =	sst s9;
	s0 =	simm.s32 @!p0 $0x0  }
0x12: {  	s1 =	sld [smem:$0x3F9D];
	s0 =	simm.s32 @p0 $0x1  }
0x13: {  	[smem:$0x3FB8] =	sst s0;
	s0 =	simm.s32 @!p1 $0x0  }
0x14: {  	s2 =	sld [smem:$0x3F9C];
	s0 =	simm.s32 @p1 $0x1  }
0x15: {  	[smem:$0x3FB9] =	sst s0;
	s0 =	simm.s32 @!p2 $0x0  }
0x16: {  	s3 =	sld [smem:$0x3FDB];
	s0 =	simm.s32 @p2 $0x1  }
0x17: {  	s4 =	simm.s32 $0x1BF5;
	[smem:$0x3FBB] =	sst s0  }
0x18: {  	s0 =	sld [smem:$0x3F9E];
	_ =	swait.ge [sflag:s4], $0x0  }
0x19: {  	s7 =	sld [smem:$0x3F9F]  }
0x1a: {  	s8 =	sadd.s32 $0xFFFFE003, lr  }
0x1b: {  	s9 =	sadd.s32 $0xFFFFFEF7, lr;
	s5 =	simm.s32 $0xFFFFFFFF;
	p2 =	slt.u32 s8, $0xFFFFF086  }
0x1c: {  	p1 =	slt.u32 s9, $0xF7A;
	s5 =	simm.s32 @!p2 $0x0  }
0x1d: {  	s5 =	simm.s32 @p1 $0x1;
	p0 =	seq.s32 s7, s2  }
0x1e: {  	s7 =	smul.u32 @!p0 $0xF7A, s2;
	p2 =	seq.s32 @!p0 s5, $0x0  }
0x1f: {  	s9 =	smul.u32 $0xF7A, s1;
	s8 =	simm.s32 @!p0 $0x1BF5;
	p2 =	por !p2, p0  }
0x20: {  	[sflag:s8] =	ssyncset.s32 @!p0 $0xFFFFF086;
	s6 =	sadd.s32 @!p0 s3, s7;
	s7 =	simm.s32 @!p0 $0x108  }
0x21: {  	s3 =	sadd.s32 s3, s9;
	s6 =	sadd.s32 @!p0 $0x88, s6;
	s7 =	simm.s32 @p2 $0x1082  }
0x22: {  	[simem:s7], [sflag:s8] =	dma.local @!p0 [hbm:s6], $0xF7A  }
0x23: {  	s9 =	sor.u32 $0xD0000000, s2;
	s6 =	simm.s32 $0x108;
	_ =	swait.ge @!p0 [sflag:s8], $0x0  }
0x24: {  	s3 =	sadd.s32 $0x88, s3;
	s6 =	simm.s32 @!p1 $0x1082;
	[sflag:s4] =	ssyncset.s32 $0xFFFFF086  }
0x25: {  	[simem:s6], [sflag:s4] =	dma.local [hbm:s3], $0xF7A  }
0x26: {  	[smem:$0x3F9F] =	sst s1;
	(tag) =	ssettag s2;
	_ =	strace s9  }
0x27: {  	s1 =	sld [smem:$0x3FAF]  }
0x28: {  	s2 =	sld [smem:$0x3FB0]  }
0x29: {  	s4 =	sld [smem:$0x3FB2]  }
0x2a: {  	p0 =	seq.s32 s5, $0x0;
	s5 =	sld [smem:$0x3FB3]  }
0x2b: {  	s6 =	sld [smem:$0x3FB4]  }
0x2c: {  	s7 =	sld [smem:$0x3FB5]  }
0x2d: {  	s3 =	simm.s32 $0x108;
	s8 =	sld [smem:$0x3FB6]  }
0x2e: {  	s3 =	simm.s32 @!p0 $0x1082;
	s9 =	sld [smem:$0x3FB7]  }
0x2f: {  	lr =	sadd.s32 s0, s3;
	s0 =	sld [smem:$0x3FAE]  }
0x30: {  	s3 =	sld [smem:$0x3FB1]  }
0x31: {  	[smem:$0x3FBA] =	sst s10  }
0x32: {  	s10 =	sld [smem:$0x3FB8];
	_ =	sdelay $0x3  }
0x33: {  	p0 =	seq.s32 s10, $0x1;
	s10 =	sld [smem:$0x3FBA];
	_ =	sdelay $0x3  }
0x34: {  	[smem:$0x3FBA] =	sst s10  }
0x35: {  	s10 =	sld [smem:$0x3FB9];
	_ =	sdelay $0x3  }
0x36: {  	p1 =	seq.s32 s10, $0x1;
	s10 =	sld [smem:$0x3FBA];
	_ =	sdelay $0x3  }
0x37: {  	[smem:$0x3FBA] =	sst s10  }
0x38: {  	s10 =	sld [smem:$0x3FBB]  }
0x39: {  	_ = 	snop;
	(pc) =	sbr.ind lr, $3  }
0x3a: {  	_ = 	snop  }
0x3b: {  	_ = 	snop  }
0x3c: {  	p2 =	seq.s32 s10, $0x1;
	s10 =	sld [smem:$0x3FBA]  }
0x3d: {  	_ =	shalt  }
0x3e: {  	_ =	shalt  }
0x3f: {  	_ =	shalt  }
0x40: {  	_ =	shalt  }
0x41: {  	_ =	shalt  }
0x42: {  	_ =	shalt  }
0x43: {  	_ =	shalt  }
0x44: {  	_ =	shalt  }
0x45: {  	_ =	shalt  }
0x46: {  	_ =	shalt  }
0x47: {  	_ =	shalt  }
0x48: {  	_ =	shalt  }
0x49: {  	_ =	shalt  }
0x4a: {  	_ =	shalt  }
0x4b: {  	_ =	shalt  }
0x4c: {  	_ =	shalt  }
0x4d: {  	_ =	shalt  }
0x4e: {  	_ =	shalt  }
0x4f: {  	_ =	shalt  }
0x50: {  	_ =	shalt  }
0x51: {  	_ =	shalt  }
0x52: {  	_ =	shalt  }
0x53: {  	_ =	shalt  }
0x54: {  	_ =	shalt  }
0x55: {  	_ =	shalt  }
0x56: {  	_ =	shalt  }
0x57: {  	_ =	shalt  }
0x58: {  	_ =	shalt  }
0x59: {  	_ =	shalt  }
0x5a: {  	_ =	shalt  }
0x5b: {  	_ =	shalt  }
0x5c: {  	_ =	shalt  }
0x5d: {  	_ =	shalt  }
0x5e: {  	_ =	shalt  }
0x5f: {  	_ =	shalt  }
0x60: {  	_ =	shalt  }
0x61: {  	_ =	shalt  }
0x62: {  	_ =	shalt  }
0x63: {  	_ =	shalt  }
0x64: {  	_ =	shalt  }
0x65: {  	_ =	shalt  }
0x66: {  	_ =	shalt  }
0x67: {  	_ =	shalt  }
0x68: {  	_ =	shalt  }
0x69: {  	_ =	shalt  }
0x6a: {  	_ =	shalt  }
0x6b: {  	_ =	shalt  }
0x6c: {  	_ =	shalt  }
0x6d: {  	_ =	shalt  }
0x6e: {  	_ =	shalt  }
0x6f: {  	_ =	shalt  }
0x70: {  	_ =	shalt  }
0x71: {  	_ =	shalt  }
0x72: {  	_ =	shalt  }
0x73: {  	_ =	shalt  }
0x74: {  	_ =	shalt  }
0x75: {  	_ =	shalt  }
0x76: {  	_ =	shalt  }
0x77: {  	_ =	shalt  }
0x78: {  	_ =	shalt  }
0x79: {  	_ =	shalt  }
0x7a: {  	_ =	shalt  }
0x7b: {  	_ =	shalt  }
0x7c: {  	_ =	shalt  }
0x7d: {  	_ =	shalt  }
0x7e: {  	_ =	shalt  }
0x7f: {  	_ =	shalt  }
0x80: {  	_ =	shalt  }
0x81: {  	_ =	shalt  }
0x82: {  	_ =	shalt  }
0x83: {  	_ =	shalt  }
0x84: {  	_ =	shalt  }
0x85: {  	_ =	shalt  }
0x86: {  	_ =	shalt  }
0x87: {  	_ =	shalt  }
.Lfunc_end0:
.L_simem_size_0:
called_computation_lowered:
.L_overlay_start_0:
0x88: {  	s2 =	sld [smem:$0x3FD9]  }
0x89: {  	s3 =	sld [smem:$0x3FFE];
	_ =	sdelay $0x1  }
0x8a: {  	s1 =	srdreg.scid  }
0x8b: {  	s0 =	sand.u32 $0x1, s1  }
0x8c: {  	s17 =	sshll.u32 s0, $0xA;
	s2 =	sadd.s32 s3, s2  }
0x8d: {  	s2 =	sadd.s32 s2, s17  }
0x8e: {  	[smem:$0x3FC6] =	sst s2  }
0x8f: {  	_ = 	snop  }
0x90: {  	s2 =	sld [smem:$0x3FC8]  }
0x91: {  	s18 =	sld [smem:$0x3FD0];
	(tm) =	ssettm $0x1  }
0x92: {  	s4 =	sld [smem:$0x3FFB];
	_ =	sdelay $0x3  }
0x93: {  	_ =	strace s4  }
0x94: {  	s4 =	sld [smem:$0x3FFC];
	_ =	sdelay $0x3  }
0x95: {  	_ =	strace s4  }
0x96: {  	s4 =	sld [smem:$0x3FFD];
	_ =	sdelay $0x3  }
0x97: {  	_ =	strace s4  }
0x98: {  	_ =	strace $0x8FFFFFFF  }
0x99: {  	s19 =	sld [smem:$0x3FDB];
	_ =	sdelay $0x1  }
0x9a: {  	s5 =	simm.s32 $_scs_section_size  }
0x9b: {  	s6 =	simm.s32 $_size__tile_overlayer_lowered;
	s7 =	simm.s32 $_tile_overlayer_lowered  }
0x9c: {  	s22 =	simm.s32 $0x1BFF;
	s21 =	sshll.u32 s7, $0x1;
	s4 =	sadd.s32 s5, s19  }
0x9d: {  	s8 =	simm.s32 $0x0;
	s20 =	sshll.u32 s6, $0x1;
	s6 =	sadd.s32 s21, s4  }
0x9e: {  	[timem:s8], [sflag:s22] =	dma.local [hbm:s6], s20  }
0x9f: {  	_ =	swait.ge [sflag:s22], s20  }
0xa0: {  	s5 =	ssub.s32 $0x0, s20;
	[sflag:s22] =	ssyncset.done $0x0  }
0xa1: {  	[sflag:s22] =	ssyncadd.s32 s5;
	_ =	sdelay $0x1  }
0xa2: {  	s23 =	simm.s32 $0x1B8B  }
0xa3: {  	_ =	swait.ge [sflag:s23], $0x1  }
0xa4: {  	[sflag:s23] =	ssyncset.done $0x0  }
0xa5: {  	s25 =	simm.s32 $0x1B8E;
	s24 =	sld [smem:$0x3FFE];
	[sflag:s23] =	ssyncadd.s32 $0xFFFFFFFF  }
0xa6: {  	s26 =	simm.s32 $execute0_lowered;
	[smem:$0x3FD2] =	sst s25  }
0xa7: {  	s6 =	sshll.u32 s26, $0x1;
	_ =	strace $0x80000046;
	[dreg:$0x1] =	wrdreg $0xFFFFFFFF  }
0xa8: {  	s28 =	simm.s32 $_size_execute0_lowered;
	s4 =	sadd.s32 s4, s6;
	[dreg:$0x0] =	wrdreg $0x0  }
0xa9: {  	s6 =	sshll.u32 s28, $0x1;
	[dreg:$0x2] =	wrdreg s4  }
0xaa: {  	[dreg:$0x3] =	wrdreg s6  }
0xab: {  	[dreg:$0x4] =	wrdreg $0xC0  }
0xac: {  	_ =	task [dreg:s8], $0x5FFFF  }
0xad: {  	[dreg:$0x1] =	wrdreg $0xFFFFFFFF  }
0xae: {  	[dreg:$0x0] =	wrdreg $0x60  }
0xaf: {  	[dreg:$0x2] =	wrdreg s18  }
0xb0: {  	[dreg:$0x3] =	wrdreg s2  }
0xb1: {  	[dreg:$0x4] =	wrdreg s24  }
0xb2: {  	[dreg:$0x5] =	wrdreg $0x9  }
0xb3: {  	_ =	task.clear_ibuf [dreg:s8], $0x6FFFF;
	_ =	strace $0x90000046  }
0xb4: {  	s29 =	simm.s32 $0x9;
	_ =	strace $0x80000048  }
0xb5: {  	_ =	swait.ge [sflag:s29], $0x1  }
0xb6: {  	[sflag:s29] =	ssyncadd.s32 $0xFFFFFFFF  }
0xb7: {  	_ =	strace $0x90000048  }
0xb8: {  	_ =	sfence  }
0xb9: {  	s30 =	sld [smem:$0x0];
	_ =	sdelay $0x2  }
0xba: {  	s31 =	sshll.u32 s1, $0xD;
	s1 =	sshrl.u32 s1, $0x2  }
0xbb: {  	s3 =	sand.u32 $0x4000, s31;
	s1 =	sadd.s32 s1, s30  }
0xbc: {  	s0 =	sor.u32 s3, s0;
	s1 =	sshll.u32 s1, $0x11  }
0xbd: {  	s0 =	sor.u32 s1, s0  }
0xbe: {  	s0 =	sadd.s32 $0x8F2B, s0  }
0xbf: {  	[sflag:s0] =	ssyncadd.remote.s32 $0x1  }
0xc0: {  	_ =	sfence.sel $0xFFFF  }
0xc1: {  	[dreg:$0x0] =	wrdreg $0xFFFFFFFF;
	(pc) =	sbr.abs _section_cstart, $3  }
0xc2: {  	[dreg:$0x1] =	wrdreg $0xFFFFFFFF  }
0xc3: {  	_ =	task.clear_ibuf [dreg:s8], $0x2FFFF;
	_ =	strace $0x9FFFFFFF  }
0xc4: {  	(tm) =	ssettm $0x7FFFFFFF  }
0xc5: {  	_ =	shalt  }
tec
execute0_lowered:
.L_overlay_start_1:
0x0: {  	(tag) =	ssettag $0x1  }
0x1: {  	s1 =	rddreg [dreg:$0x0];
	s2 =	srdreg.scid  }
0x2: {  	s4 =	rddreg [dreg:$0x1];
	s0 =	stileid.u32  }
0x3: {  	s8 =	rddreg [dreg:$0x2];
	s3 =	simm.s32 $0x0;
	s6 =	sand.u32 $0x1, s2  }
0x4: {  	s5 =	sshll.u32 s0, $0x9;
	s2 =	rddreg [dreg:$0x3];
	s7 =	sshll.u32 s6, $0x8  }
0x5: {  	[smem:$0x7FF] =	sst s3;
	s7 =	sor.u32 s7, s5  }
0x6: {  	_ =	strace $0x80000047;
	s10 =	ssub.s32 $0x2, s6;
	s5 =	sshrl.u32 s7, $0x3  }
0x7: {  	s6 =	simm.s32 $0x100;
	s4 =	sadd.s32 s4, s5;
	s5 =	simm.s32 $0x3  }
0x8: {  	[tilespmem:s3], [sflag:$0x3] =	stream.linear.gather [hbm4b:s4+s3], $0x100, $0x38;
	[tilespmem:$0x2100] =	vst v63  }
0x9: {  	s31 =	sshrl.u32 s10, $0x1;
	s9 =	sshll.u32 s7, $0x1;
	_ =	swait.ge [sflag:s5], $0x100  }
0xa: {  	s8 =	sadd.s32 s9, s8;
	s9 =	ssub.s32 s10, s31;
	[sflag:s5] =	ssyncset.done $0x0  }
0xb: {  	s7 =	simm.s32 $0x1;
	s10 =	smax.u32 s9, $0x1;
	[sflag:s5] =	ssyncadd.s32 $0xFFFFFF00  }
0xc: {  	[tilespmem:s6], [sflag:$0x1] =	stream.indirect.gather [hbm4b:s1+s6], $0x10, s3, s6, $0xb8;
	[tilespmem:$0x2100] =	vst v63  }
0xd: {  	p0 =	sne.s32 s10, $0x1;
	_ =	swait.ge [sflag:s7], $0x1000  }
.Ltmp0:
0xe: {  	[sflag:s7] =	ssyncset.done $0x0;
	(pc) =	sbr.rel @!p0 .LBB2_2-.Ltmp0, $4  }
0xf: {  	s8 =	sadd.s32 $0x400, s8;
	s9 =	simm.s32 $0x2;
	[sflag:s7] =	ssyncadd.s32 $0xFFFFF000  }
0x10: {  	[hbm4b:s8+s3] =	stream.linear.scatter [tilespmem:s6], [sflag:$0x2], $0x1000, $0x38;
	[tilespmem:$0x2100] =	vst v63  }
0x11: {  	_ =	swait.ge [sflag:s9], $0x1000  }
0x12: {  	s10 =	sadd.s32 $0xFFFFFFFF, s10;
	[sflag:s9] =	ssyncset.done $0x0  }
.LBB2_1:
0x13: {  	p0 =	sne.s32 s10, $0x1;
	s10 =	sadd.s32 $0xFFFFFFFF, s10;
	[sflag:s9] =	ssyncadd.s32 $0xFFFFF000  }
0x14: {  	[tilespmem:s3], [sflag:$0x3] =	stream.linear.gather [hbm4b:s4+s3], $0x100, $0x38;
	[tilespmem:$0x2100] =	vst v63  }
0x15: {  	_ =	swait.ge [sflag:s5], $0x100  }
0x16: {  	[sflag:s5] =	ssyncset.done $0x0  }
0x17: {  	[sflag:s5] =	ssyncadd.s32 $0xFFFFFF00  }
0x18: {  	[tilespmem:s6], [sflag:$0x1] =	stream.indirect.gather [hbm4b:s1+s6], $0x10, s3, s6, $0xb8;
	[tilespmem:$0x2100] =	vst v63  }
0x19: {  	_ =	swait.ge [sflag:s7], $0x1000  }
.Ltmp1:
0x1a: {  	[sflag:s7] =	ssyncset.done $0x0;
	(pc) =	sbr.rel @p0 .LBB2_1-.Ltmp1, $4  }
0x1b: {  	[sflag:s7] =	ssyncadd.s32 $0xFFFFF000  }
0x1c: {  	[hbm4b:s8+s3] =	stream.linear.scatter [tilespmem:s6], [sflag:$0x2], $0x1000, $0x38;
	[tilespmem:$0x2100] =	vst v63  }
0x1d: {  	_ =	swait.ge [sflag:s9], $0x1000  }
0x1e: {  	[sflag:s9] =	ssyncset.done $0x0  }
.LBB2_2:
0x1f: {  	[sflag:s9] =	ssyncadd.s32 $0xFFFFF000  }
0x20: {  	_ =	sfence.sel $0x180000  }
0x21: {  	[bflag:$0x0] =	sbarrier.arrive $0xFFFF  }
0x22: {  	p0 =	sne.s32 s0, $0x0;
	_ =	strace $0x90000047  }
0x23: {  	s0 =	sadd.s32 @!p0 $0x100000, s2;
	[bflag:$0x2] =	sbarrier.arrive $0xFFFF  }
0x24: {  	[sflag:s0] =	ssyncadd.tile.s32 @!p0 $0x1;
	_ =	shalt  }
.Lfunc_end2:
_tile_overlayer_lowered:
.L_overlay_start_2:
0x25: {  	(tag) =	ssettag $0x2  }
0x26: {  	s0 =	rddreg [dreg:$0x0];
	s2 =	stileid.u32  }
0x27: {  	s1 =	rddreg [dreg:$0x1];
	p0 =	sne.s32 s2, $0x0  }
0x28: {  	s3 =	rddreg [dreg:$0x2];
	[bflag:$0x3] =	sbarrier.arrive $0xFFFF;
	s2 =	simm.s32 @!p0 $0x1C03  }
0x29: {  	[timem:s3], [sflag:s2] =	dma.local @!p0 [hbm:s0], s1  }
0x2a: {  	s0 =	simm.s32 @!p0 $0x3  }
0x2b: {  	_ =	swait.ge @!p0 [sflag:s0], s1  }
0x2c: {  	s1 =	ssub.s32 @!p0 $0x0, s1;
	[sflag:s0] =	ssyncset.done @!p0 $0x0  }
0x2d: {  	[sflag:s0] =	ssyncadd.s32 @!p0 s1  }
0x2e: {  	[bflag:$0x3] =	sbarrier.arrive $0xFFFF  }
0x2f: {  	_ =	shalt  }

</sc_bundles>
